<compile_context>
chip_gen: v7x
topology: tpu7x:2x2x1
jax: 0.10.2.dev20260603
libtpu: 0.0.44.dev20260713+nightly
codegen_flags: <defaults>
</compile_context>

<pallas_src>
import functools

import jax
import jax.numpy as jnp
from jax import lax
from jax.experimental import pallas as pl
from jax.experimental.pallas import tpu as pltpu
from jax.experimental.pallas import tpu_sc as plsc

VOCAB = 32128
D_MODEL = 1024
BATCH = 4
SEQ = 2048
N_TOK = BATCH * SEQ
NC, NS = 2, 16
NW = NC * NS
ROWS_PER_W = N_TOK // NW
CHUNK = 32
NCHUNK = ROWS_PER_W // CHUNK
PAD = 9
LANES = 16

DECODER_START_TOKEN_ID = 0
PAD_TOKEN_ID = 0


def _emb_body(label_hbm, table_hbm, out_hbm, mask_hbm,
              lbl_v, ids_v, buf0, buf1, ones_v, sg0, sg1, sw0, sw1):
    wid = lax.axis_index("s") * NC + lax.axis_index("c")
    base = pl.multiple_of(wid * ROWS_PER_W, ROWS_PER_W)
    b = wid // (SEQ // ROWS_PER_W)
    t_base = pl.multiple_of((wid % (SEQ // ROWS_PER_W)) * ROWS_PER_W,
                            ROWS_PER_W)

    pltpu.sync_copy(label_hbm.at[pl.ds(base, ROWS_PER_W + PAD - 1)], lbl_v)

    lane = lax.iota(jnp.int32, LANES)
    ones16 = jnp.full((LANES,), 1.0, jnp.float32)

    def idbody(j, c):
        n_vec = base + j * LANES + lane
        is_t0 = (n_vec & (SEQ - 1)) == 0
        ids = lbl_v[pl.ds(PAD - 1 + j * LANES, LANES)]
        ids = jnp.where(ids == -100, PAD_TOKEN_ID, ids)
        ids = jnp.where(is_t0, DECODER_START_TOKEN_ID, ids)
        ids_v[j // (CHUNK // LANES), pl.ds((j % (CHUNK // LANES)) * LANES, LANES)] = ids
        ones_v[pl.ds(j * LANES, LANES)] = ones16
        return c

    lax.fori_loop(0, ROWS_PER_W // LANES, idbody, 0)
    pltpu.sync_copy(ones_v, mask_hbm.at[b, pl.ds(t_base, ROWS_PER_W)])

    def start_gather(k, buf, sg):
        return pltpu.async_copy(table_hbm.at[ids_v.at[k]], buf, sg)

    def wait_gather(k, buf, sg):
        pltpu.make_async_copy(table_hbm.at[ids_v.at[k]], buf, sg).wait()

    def start_write(k, buf, sw):
        pltpu.async_copy(
            buf, out_hbm.at[b, pl.ds(t_base + k * CHUNK, CHUNK)], sw)

    def wait_write(buf, sw):
        pltpu.make_async_copy(
            buf, out_hbm.at[b, pl.ds(t_base, CHUNK)], sw).wait()

    start_gather(0, buf0, sg0)

    def ring(i, c):
        kk = i * 2
        wait_gather(kk, buf0, sg0)
        start_write(kk, buf0, sw0)

        @pl.when(kk > 0)
        def _():
            wait_write(buf1, sw1)
        start_gather(kk + 1, buf1, sg1)

        wait_gather(kk + 1, buf1, sg1)
        start_write(kk + 1, buf1, sw1)

        @pl.when(kk < NCHUNK - 2)
        def _():
            wait_write(buf0, sw0)
            start_gather(kk + 2, buf0, sg0)
        return c

    lax.fori_loop(0, NCHUNK // 2, ring, 0)
    wait_write(buf0, sw0)
    wait_write(buf1, sw1)


@functools.partial(
    pl.kernel,
    out_type=(jax.ShapeDtypeStruct((BATCH, SEQ, D_MODEL), jnp.float32),
              jax.ShapeDtypeStruct((BATCH, SEQ), jnp.float32)),
    mesh=plsc.VectorSubcoreMesh(core_axis_name="c", subcore_axis_name="s",
                                num_cores=NC, num_subcores=NS),
    scratch_types=[
        pltpu.VMEM((ROWS_PER_W + PAD - 1,), jnp.int32),
        pltpu.VMEM((NCHUNK, CHUNK), jnp.int32),
        pltpu.VMEM((CHUNK, D_MODEL), jnp.float32),
        pltpu.VMEM((CHUNK, D_MODEL), jnp.float32),
        pltpu.VMEM((ROWS_PER_W,), jnp.float32),
        pltpu.SemaphoreType.DMA,
        pltpu.SemaphoreType.DMA,
        pltpu.SemaphoreType.DMA,
        pltpu.SemaphoreType.DMA,
    ],
)
def _emb_lookup(label_hbm, table_hbm, out_hbm, mask_hbm,
                lbl_v, ids_v, buf0, buf1, ones_v, sg0, sg1, sw0, sw1):
    _emb_body(label_hbm, table_hbm, out_hbm, mask_hbm,
              lbl_v, ids_v, buf0, buf1, ones_v, sg0, sg1, sw0, sw1)


def _copy_body(src_ref, am_ref, dst_ref, am_out_ref):
    dst_ref[...] = src_ref[...]
    am_out_ref[...] = am_ref[...]


_EHS_BLOCK = 512


def _tc_passthrough(x, attn_mask):
    flat = x.reshape(N_TOK, D_MODEL)
    spec = pl.BlockSpec((_EHS_BLOCK, D_MODEL), lambda i: (i, 0))
    am_spec = pl.BlockSpec((BATCH, SEQ), lambda i: (0, 0))
    out, am = pl.pallas_call(
        _copy_body,
        out_shape=(jax.ShapeDtypeStruct((N_TOK, D_MODEL), jnp.float32),
                   jax.ShapeDtypeStruct((BATCH, SEQ), jnp.float32)),
        grid=(N_TOK // _EHS_BLOCK,),
        in_specs=[spec, am_spec],
        out_specs=(spec, am_spec),
    )(flat, attn_mask)
    return out.reshape(BATCH, SEQ, D_MODEL), am


def kernel(encoder_hidden_states, label, encoder_attention_mask, embedding_table):
    label_padded = jnp.concatenate(
        [jnp.zeros((PAD,), jnp.int32), label.reshape(N_TOK).astype(jnp.int32)])
    out, mask = _emb_lookup(label_padded, embedding_table)
    ehs, attn = _tc_passthrough(encoder_hidden_states, encoder_attention_mask)
    return (ehs, attn, out, mask)

# --- scband reference (transcript-rebuilt; emitter-appended) ---
"""Pipeline reference for scband-t5-decoder-embedding-29334626632461 (READ-ONLY COPY).

The authoritative reference and input builder live on the scoring server;
editing this copy changes nothing except your own understanding.
"""

import jax, jax.numpy as jnp
import numpy as np

VOCAB = 32128
D_MODEL = 1024
DECODER_START_TOKEN_ID = 0
PAD_TOKEN_ID = 0


def setup_inputs(seed: int = 0) -> dict:
    key = jax.random.key(seed)
    k1, k2, k3 = jax.random.split(key, 3)
    encoder_hidden_states = jax.random.normal(k1, (4, 2048, D_MODEL), dtype=jnp.float32)
    label = jax.random.randint(k2, (4, 2048), 0, VOCAB, dtype=jnp.int64 if jax.config.jax_enable_x64 else jnp.int32).astype(jnp.int32)
    encoder_attention_mask = jnp.ones((4, 2048), dtype=jnp.float32)
    embedding_table = jax.random.normal(k3, (VOCAB, D_MODEL), dtype=jnp.float32) * 0.02
    return {
        "encoder_hidden_states": encoder_hidden_states,
        "label": label,
        "encoder_attention_mask": encoder_attention_mask,
        "embedding_table": embedding_table,
    }


def _shift_right(label):
    # T5._shift_right: shift tokens right, prepend decoder_start_token_id,
    # replace any -100 (ignore index) with pad_token_id.
    shifted = jnp.concatenate(
        [jnp.full((label.shape[0], 1), DECODER_START_TOKEN_ID, dtype=label.dtype), label[:, :-1]],
        axis=1,
    )
    shifted = jnp.where(shifted == -100, jnp.asarray(PAD_TOKEN_ID, dtype=shifted.dtype), shifted)
    return shifted


def reference(encoder_hidden_states, label, encoder_attention_mask, embedding_table):
    decoder_input_ids = _shift_right(label)
    input_shape = decoder_input_ids.shape
    # embedding lookup (gather) -> SparseCore-friendly
    inputs_embeds = jnp.take(embedding_table, decoder_input_ids, axis=0)
    # dropout in eval mode = identity
    hidden_states = inputs_embeds
    attention_mask = jnp.ones(input_shape, dtype=inputs_embeds.dtype)
    return (encoder_hidden_states, encoder_attention_mask, hidden_states, attention_mask)

if __name__ == "__main__":
    import jax
    _d = setup_inputs()
    print(jax.jit(kernel)(*tuple(_d.values())))

</pallas_src>

<mosaic_0001>
#map = affine_map<(d0, d1) -> (0)>
#map1 = affine_map<(d0, d1) -> (0, 0)>
#map2 = affine_map<(d0, d1) -> (0, 0, 0)>
module attributes {stable_mosaic.version = 14 : i64} {
  func.func @_emb_lookup(%arg0: i32, %arg1: i32, %arg2: memref<8201xi32, #tpu.memory_space<hbm>>, %arg3: memref<32128x1024xf32, #tpu.memory_space<hbm>>, %arg4: memref<4x2048x1024xf32, #tpu.memory_space<hbm>>, %arg5: memref<4x2048xf32, #tpu.memory_space<hbm>>, %arg6: memref<264xi32, #tpu.memory_space<vmem>>, %arg7: memref<8x32xi32, #tpu.memory_space<vmem>>, %arg8: memref<32x1024xf32, #tpu.memory_space<vmem>>, %arg9: memref<32x1024xf32, #tpu.memory_space<vmem>>, %arg10: memref<256xf32, #tpu.memory_space<vmem>>, %arg11: memref<!tpu.dma_semaphore, #tpu.memory_space<semaphore_mem>>, %arg12: memref<!tpu.dma_semaphore, #tpu.memory_space<semaphore_mem>>, %arg13: memref<!tpu.dma_semaphore, #tpu.memory_space<semaphore_mem>>, %arg14: memref<!tpu.dma_semaphore, #tpu.memory_space<semaphore_mem>>) attributes {dimension_semantics = [#tpu.dimension_semantics<core_parallel>, #tpu.dimension_semantics<subcore_parallel>], iteration_bounds = array<i64: 2, 16>, scalar_prefetch = 0 : i64, scratch_operands = 9 : i64, tpu.core_type = #tpu.core_type<sc_vector_subcore>, window_params = [{transform_indices = #map}, {transform_indices = #map1}, {transform_indices = #map2}, {transform_indices = #map1}]} {
    %mul3A = arith.constant 2 : i32
    %mul3A_0 = arith.muli %arg1, %mul3A : i32
    %add3A = arith.addi %mul3A_0, %arg0 : i32
    %mul3A_1 = arith.constant 256 : i32
    %mul3A_2 = arith.muli %add3A, %mul3A_1 : i32
    %multiple_of3A = tpu.assume_multiple %mul3A_2, 256 : i32
    %jit3A = arith.constant 8 : i32
    %div3A = arith.divsi %add3A, %jit3A : i32
    %sign3A = arith.constant 0 : i32
    %sign3A_3 = arith.cmpi sgt, %add3A, %sign3A : i32
    %sign3A_4 = arith.extui %sign3A_3 : i1 to i32
    %sign3A_5 = arith.constant 0 : i32
    %sign3A_6 = arith.cmpi slt, %add3A, %sign3A_5 : i32
    %sign3A_7 = arith.extui %sign3A_6 : i1 to i32
    %sign3A_8 = arith.subi %sign3A_4, %sign3A_7 : i32
    %sign3A_9 = arith.constant 0 : i32
    %sign3A_10 = arith.cmpi sgt, %jit3A, %sign3A_9 : i32
    %sign3A_11 = arith.extui %sign3A_10 : i1 to i32
    %sign3A_12 = arith.constant 0 : i32
    %sign3A_13 = arith.cmpi slt, %jit3A, %sign3A_12 : i32
    %sign3A_14 = arith.extui %sign3A_13 : i1 to i32
    %sign3A_15 = arith.subi %sign3A_11, %sign3A_14 : i32
    %ne3A = arith.cmpi ne, %sign3A_8, %sign3A_15 : i32
    %rem3A = arith.remsi %add3A, %jit3A : i32
    %ne3A_16 = arith.constant 0 : i32
    %ne3A_17 = arith.cmpi ne, %rem3A, %ne3A_16 : i32
    %and3A = arith.andi %ne3A, %ne3A_17 : i1
    %sub3A = arith.constant 1 : i32
    %sub3A_18 = arith.subi %div3A, %sub3A : i32
    %select_n3A = arith.select %and3A, %sub3A_18, %div3A : i32
    %jit3A_19 = arith.constant 8 : i32
    %eq3A = arith.constant 0 : i32
    %eq3A_20 = arith.cmpi eq, %jit3A_19, %eq3A : i32
    %jit3A_21 = arith.constant 1 : i32
    %select_n3A_22 = arith.select %eq3A_20, %jit3A_21, %jit3A_19 : i32
    %rem3A_23 = arith.remsi %add3A, %select_n3A_22 : i32
    %ne3A_24 = arith.constant 0 : i32
    %ne3A_25 = arith.cmpi ne, %rem3A_23, %ne3A_24 : i32
    %lt3A = arith.constant 0 : i32
    %lt3A_26 = arith.cmpi slt, %rem3A_23, %lt3A : i32
    %lt3A_27 = arith.constant 0 : i32
    %lt3A_28 = arith.cmpi slt, %select_n3A_22, %lt3A_27 : i32
    %ne3A_29 = arith.xori %lt3A_26, %lt3A_28 : i1
    %and3A_30 = arith.andi %ne3A_29, %ne3A_25 : i1
    %add3A_31 = arith.addi %rem3A_23, %select_n3A_22 : i32
    %select_n3A_32 = arith.select %and3A_30, %add3A_31, %rem3A_23 : i32
    %mul3A_33 = arith.constant 256 : i32
    %mul3A_34 = arith.muli %select_n3A_32, %mul3A_33 : i32
    %multiple_of3A_35 = tpu.assume_multiple %mul3A_34, 256 : i32
    "tpu.region"() ({
      %run_scoped3A = tpu.sem_alloc : memref<!tpu.dma_semaphore, #tpu.memory_space<semaphore_mem>>
      %dma_start3A_65 = tpu.memref_slice %arg2[%multiple_of3A] : memref<8201xi32, #tpu.memory_space<hbm>> -> memref<264xi32, #tpu.memory_space<hbm>>
      %dma_start3A_66 = tpu.memref_slice %arg2[%multiple_of3A] : memref<8201xi32, #tpu.memory_space<hbm>> -> memref<264xi32, #tpu.memory_space<hbm>>
      tpu.enqueue_dma source(%dma_start3A_66 : memref<264xi32, #tpu.memory_space<hbm>>) target(%arg6 : memref<264xi32, #tpu.memory_space<vmem>>) target_semaphore(%run_scoped3A : memref<!tpu.dma_semaphore, #tpu.memory_space<semaphore_mem>>)
      %dma_wait3A_67 = tpu.memref_slice %arg2[%multiple_of3A] : memref<8201xi32, #tpu.memory_space<hbm>> -> memref<264xi32, #tpu.memory_space<hbm>>
      %dma_wait3A_68 = tpu.memref_slice %arg2[%multiple_of3A] : memref<8201xi32, #tpu.memory_space<hbm>> -> memref<264xi32, #tpu.memory_space<hbm>>
      tpu.wait_dma2 semaphore(%run_scoped3A : memref<!tpu.dma_semaphore, #tpu.memory_space<semaphore_mem>>) src(%dma_wait3A_68 : memref<264xi32, #tpu.memory_space<hbm>>) dst(%arg6 : memref<264xi32, #tpu.memory_space<vmem>>)
      tpu.yield
    }) : () -> ()
    %iota3A = tpu.iota {dimensions = array<i32: 0>} : vector<16xi32>
    %broadcast_in_dim3A = arith.constant 1.000000e+00 : f32
    %broadcast_in_dim3A_36 = vector.broadcast %broadcast_in_dim3A : f32 to vector<16xf32>
    %scan3A = arith.constant 0 : i32
    %scan3A_37 = arith.constant 0 : i32
    %scan3A_38 = arith.constant 16 : i32
    %scan3A_39 = arith.addi %scan3A_37, %scan3A_38 : i32
    %scan3A_40 = arith.constant 1 : i32
    scf.for %scan3A_65 = %scan3A_37 to %scan3A_39 step %scan3A_40  : i32 {
      %mul3A_66 = arith.constant 16 : i32
      %mul3A_67 = arith.muli %scan3A_65, %mul3A_66 : i32
      %add3A_68 = arith.addi %multiple_of3A, %mul3A_67 : i32
      %add3A_69 = vector.broadcast %add3A_68 : i32 to vector<16xi32>
      %add3A_70 = arith.addi %add3A_69, %iota3A : vector<16xi32>
      %and3A_71 = arith.constant 2047 : i32
      %and3A_72 = vector.broadcast %and3A_71 : i32 to vector<16xi32>
      %and3A_73 = arith.andi %add3A_70, %and3A_72 : vector<16xi32>
      %eq3A_74 = arith.constant 0 : i32
      %eq3A_75 = vector.broadcast %eq3A_74 : i32 to vector<16xi32>
      %eq3A_76 = arith.cmpi eq, %and3A_73, %eq3A_75 : vector<16xi32>
      %mul3A_77 = arith.constant 16 : i32
      %mul3A_78 = arith.muli %scan3A_65, %mul3A_77 : i32
      %add3A_79 = arith.constant 8 : i32
      %add3A_80 = arith.addi %add3A_79, %mul3A_78 : i32
      %get3A = arith.index_cast %add3A_80 : i32 to index
      %get3A_81 = tpu.vector_load %arg6[%get3A] {strides = array<i32>} : memref<264xi32, #tpu.memory_space<vmem>>, vector<16xi32>,
      %get3A_82 = vector.shape_cast %get3A_81 : vector<16xi32> to vector<16xi32>
      %eq3A_83 = arith.constant -100 : i32
      %eq3A_84 = vector.broadcast %eq3A_83 : i32 to vector<16xi32>
      %eq3A_85 = arith.cmpi eq, %get3A_82, %eq3A_84 : vector<16xi32>
      %jit3A_86 = arith.constant 0 : i32
      %broadcast_in_dim3A_87 = vector.broadcast %jit3A_86 : i32 to vector<16xi32>
      %select_n3A_88 = arith.select %eq3A_85, %broadcast_in_dim3A_87, %get3A_82 : vector<16xi1>, vector<16xi32>
      %jit3A_89 = arith.constant 0 : i32
      %broadcast_in_dim3A_90 = vector.broadcast %jit3A_89 : i32 to vector<16xi32>
      %select_n3A_91 = arith.select %eq3A_76, %broadcast_in_dim3A_90, %select_n3A_88 : vector<16xi1>, vector<16xi32>
      %jit3A_92 = arith.constant 2 : i32
      %div3A_93 = arith.divsi %scan3A_65, %jit3A_92 : i32
      %sign3A_94 = arith.constant 0 : i32
      %sign3A_95 = arith.cmpi sgt, %scan3A_65, %sign3A_94 : i32
      %sign3A_96 = arith.extui %sign3A_95 : i1 to i32
      %sign3A_97 = arith.constant 0 : i32
      %sign3A_98 = arith.cmpi slt, %scan3A_65, %sign3A_97 : i32
      %sign3A_99 = arith.extui %sign3A_98 : i1 to i32
      %sign3A_100 = arith.subi %sign3A_96, %sign3A_99 : i32
      %sign3A_101 = arith.constant 0 : i32
      %sign3A_102 = arith.cmpi sgt, %jit3A_92, %sign3A_101 : i32
      %sign3A_103 = arith.extui %sign3A_102 : i1 to i32
      %sign3A_104 = arith.constant 0 : i32
      %sign3A_105 = arith.cmpi slt, %jit3A_92, %sign3A_104 : i32
      %sign3A_106 = arith.extui %sign3A_105 : i1 to i32
      %sign3A_107 = arith.subi %sign3A_103, %sign3A_106 : i32
      %ne3A_108 = arith.cmpi ne, %sign3A_100, %sign3A_107 : i32
      %rem3A_109 = arith.remsi %scan3A_65, %jit3A_92 : i32
      %ne3A_110 = arith.constant 0 : i32
      %ne3A_111 = arith.cmpi ne, %rem3A_109, %ne3A_110 : i32
      %and3A_112 = arith.andi %ne3A_108, %ne3A_111 : i1
      %sub3A_113 = arith.constant 1 : i32
      %sub3A_114 = arith.subi %div3A_93, %sub3A_113 : i32
      %select_n3A_115 = arith.select %and3A_112, %sub3A_114, %div3A_93 : i32
      %jit3A_116 = arith.constant 2 : i32
      %eq3A_117 = arith.constant 0 : i32
      %eq3A_118 = arith.cmpi eq, %jit3A_116, %eq3A_117 : i32
      %jit3A_119 = arith.constant 1 : i32
      %select_n3A_120 = arith.select %eq3A_118, %jit3A_119, %jit3A_116 : i32
      %rem3A_121 = arith.remsi %scan3A_65, %select_n3A_120 : i32
      %ne3A_122 = arith.constant 0 : i32
      %ne3A_123 = arith.cmpi ne, %rem3A_121, %ne3A_122 : i32
      %lt3A_124 = arith.constant 0 : i32
      %lt3A_125 = arith.cmpi slt, %rem3A_121, %lt3A_124 : i32
      %lt3A_126 = arith.constant 0 : i32
      %lt3A_127 = arith.cmpi slt, %select_n3A_120, %lt3A_126 : i32
      %ne3A_128 = arith.xori %lt3A_125, %lt3A_127 : i1
      %and3A_129 = arith.andi %ne3A_128, %ne3A_123 : i1
      %add3A_130 = arith.addi %rem3A_121, %select_n3A_120 : i32
      %select_n3A_131 = arith.select %and3A_129, %add3A_130, %rem3A_121 : i32
      %mul3A_132 = arith.constant 16 : i32
      %mul3A_133 = arith.muli %select_n3A_131, %mul3A_132 : i32
      %swap3A = arith.index_cast %select_n3A_115 : i32 to index
      %swap3A_134 = arith.index_cast %mul3A_133 : i32 to index
      %swap3A_135 = tpu.vector_load %arg7[%swap3A, %swap3A_134] {strides = array<i32>} : memref<8x32xi32, #tpu.memory_space<vmem>>, vector<1x16xi32>,
      %swap3A_136 = vector.shape_cast %swap3A_135 : vector<1x16xi32> to vector<16xi32>
      %swap3A_137 = vector.shape_cast %select_n3A_91 : vector<16xi32> to vector<1x16xi32>
      tpu.vector_store %arg7[%swap3A, %swap3A_134], %swap3A_137 {strides = array<i32>} : memref<8x32xi32, #tpu.memory_space<vmem>>, vector<1x16xi32>,
      %mul3A_138 = arith.constant 16 : i32
      %mul3A_139 = arith.muli %scan3A_65, %mul3A_138 : i32
      %swap3A_140 = arith.index_cast %mul3A_139 : i32 to index
      %swap3A_141 = tpu.vector_load %arg10[%swap3A_140] {strides = array<i32>} : memref<256xf32, #tpu.memory_space<vmem>>, vector<16xf32>,
      %swap3A_142 = vector.shape_cast %swap3A_141 : vector<16xf32> to vector<16xf32>
      %swap3A_143 = vector.shape_cast %broadcast_in_dim3A_36 : vector<16xf32> to vector<16xf32>
      tpu.vector_store %arg10[%swap3A_140], %swap3A_143 {strides = array<i32>} : memref<256xf32, #tpu.memory_space<vmem>>, vector<16xf32>,
    }
    %scan3A_41 = arith.constant 16 : i32
    "tpu.region"() ({
      %run_scoped3A = tpu.sem_alloc : memref<!tpu.dma_semaphore, #tpu.memory_space<semaphore_mem>>
      %dma_start3A_65 = tpu.memref_slice %arg5[%select_n3A, %multiple_of3A_35] : memref<4x2048xf32, #tpu.memory_space<hbm>> -> memref<1x256xf32, #tpu.memory_space<hbm>>
      %dma_start3A_66 = tpu.memref_squeeze %dma_start3A_65 : memref<1x256xf32, #tpu.memory_space<hbm>> -> memref<256xf32, #tpu.memory_space<hbm>>
      %dma_start3A_67 = tpu.memref_slice %arg5[%select_n3A, %multiple_of3A_35] : memref<4x2048xf32, #tpu.memory_space<hbm>> -> memref<1x256xf32, #tpu.memory_space<hbm>>
      %dma_start3A_68 = tpu.memref_squeeze %dma_start3A_67 : memref<1x256xf32, #tpu.memory_space<hbm>> -> memref<256xf32, #tpu.memory_space<hbm>>
      tpu.enqueue_dma source(%arg10 : memref<256xf32, #tpu.memory_space<vmem>>) target(%dma_start3A_68 : memref<256xf32, #tpu.memory_space<hbm>>) target_semaphore(%run_scoped3A : memref<!tpu.dma_semaphore, #tpu.memory_space<semaphore_mem>>)
      %dma_wait3A_69 = tpu.memref_slice %arg5[%select_n3A, %multiple_of3A_35] : memref<4x2048xf32, #tpu.memory_space<hbm>> -> memref<1x256xf32, #tpu.memory_space<hbm>>
      %dma_wait3A_70 = tpu.memref_squeeze %dma_wait3A_69 : memref<1x256xf32, #tpu.memory_space<hbm>> -> memref<256xf32, #tpu.memory_space<hbm>>
      %dma_wait3A_71 = tpu.memref_slice %arg5[%select_n3A, %multiple_of3A_35] : memref<4x2048xf32, #tpu.memory_space<hbm>> -> memref<1x256xf32, #tpu.memory_space<hbm>>
      %dma_wait3A_72 = tpu.memref_squeeze %dma_wait3A_71 : memref<1x256xf32, #tpu.memory_space<hbm>> -> memref<256xf32, #tpu.memory_space<hbm>>
      tpu.wait_dma2 semaphore(%run_scoped3A : memref<!tpu.dma_semaphore, #tpu.memory_space<semaphore_mem>>) src(%arg10 : memref<256xf32, #tpu.memory_space<vmem>>) dst(%dma_wait3A_72 : memref<256xf32, #tpu.memory_space<hbm>>)
      tpu.yield
    }) : () -> ()
    %dma_start3A = arith.constant 0 : i32
    %dma_start3A_42 = arith.constant 0 : i32
    %dma_start3A_43 = tpu.memref_slice %arg7[%dma_start3A, %dma_start3A_42] : memref<8x32xi32, #tpu.memory_space<vmem>> -> memref<1x32xi32, #tpu.memory_space<vmem>>
    %dma_start3A_44 = tpu.memref_squeeze %dma_start3A_43 : memref<1x32xi32, #tpu.memory_space<vmem>> -> memref<32xi32, #tpu.memory_space<vmem>>
    %dma_start3A_45 = arith.constant 0 : i32
    %dma_start3A_46 = arith.constant 0 : i32
    %dma_start3A_47 = tpu.memref_slice %arg3[%dma_start3A_45, %dma_start3A_46] : memref<32128x1024xf32, #tpu.memory_space<hbm>> -> memref<32128x1024xf32, #tpu.memory_space<hbm>>
    tpu.enqueue_indirect_dma source(%dma_start3A_47 : memref<32128x1024xf32, #tpu.memory_space<hbm>>) target(%arg8 : memref<32x1024xf32, #tpu.memory_space<vmem>>) offsets(%dma_start3A_44 : memref<32xi32, #tpu.memory_space<vmem>>) semaphore(%arg11 : memref<!tpu.dma_semaphore, #tpu.memory_space<semaphore_mem>>)
    %scan3A_48 = arith.constant 0 : i32
    %scan3A_49 = arith.constant 0 : i32
    %scan3A_50 = arith.constant 4 : i32
    %scan3A_51 = arith.addi %scan3A_49, %scan3A_50 : i32
    %scan3A_52 = arith.constant 1 : i32
    scf.for %scan3A_65 = %scan3A_49 to %scan3A_51 step %scan3A_52  : i32 {
      %mul3A_66 = arith.constant 2 : i32
      %mul3A_67 = arith.muli %scan3A_65, %mul3A_66 : i32
      %dma_wait3A_68 = arith.constant 0 : i32
      %dma_wait3A_69 = tpu.memref_slice %arg7[%mul3A_67, %dma_wait3A_68] : memref<8x32xi32, #tpu.memory_space<vmem>> -> memref<1x32xi32, #tpu.memory_space<vmem>>
      %dma_wait3A_70 = tpu.memref_squeeze %dma_wait3A_69 : memref<1x32xi32, #tpu.memory_space<vmem>> -> memref<32xi32, #tpu.memory_space<vmem>>
      %dma_wait3A_71 = arith.constant 0 : i32
      %dma_wait3A_72 = arith.constant 0 : i32
      %dma_wait3A_73 = tpu.memref_slice %arg3[%dma_wait3A_71, %dma_wait3A_72] : memref<32128x1024xf32, #tpu.memory_space<hbm>> -> memref<32128x1024xf32, #tpu.memory_space<hbm>>
      tpu.wait_indirect_dma semaphore(%arg11 : memref<!tpu.dma_semaphore, #tpu.memory_space<semaphore_mem>>) src(%dma_wait3A_73 : memref<32128x1024xf32, #tpu.memory_space<hbm>>) dst(%arg8 : memref<32x1024xf32, #tpu.memory_space<vmem>>)
      %mul3A_74 = arith.constant 32 : i32
      %mul3A_75 = arith.muli %mul3A_67, %mul3A_74 : i32
      %add3A_76 = arith.addi %multiple_of3A_35, %mul3A_75 : i32
      %dma_start3A_77 = arith.constant 0 : i32
      %dma_start3A_78 = tpu.memref_slice %arg4[%select_n3A, %add3A_76, %dma_start3A_77] : memref<4x2048x1024xf32, #tpu.memory_space<hbm>> -> memref<1x32x1024xf32, #tpu.memory_space<hbm>>
      %dma_start3A_79 = tpu.memref_squeeze %dma_start3A_78 : memref<1x32x1024xf32, #tpu.memory_space<hbm>> -> memref<32x1024xf32, #tpu.memory_space<hbm>>
      %dma_start3A_80 = arith.constant 0 : i32
      %dma_start3A_81 = tpu.memref_slice %arg4[%select_n3A, %add3A_76, %dma_start3A_80] : memref<4x2048x1024xf32, #tpu.memory_space<hbm>> -> memref<1x32x1024xf32, #tpu.memory_space<hbm>>
      %dma_start3A_82 = tpu.memref_squeeze %dma_start3A_81 : memref<1x32x1024xf32, #tpu.memory_space<hbm>> -> memref<32x1024xf32, #tpu.memory_space<hbm>>
      tpu.enqueue_dma source(%arg8 : memref<32x1024xf32, #tpu.memory_space<vmem>>) target(%dma_start3A_82 : memref<32x1024xf32, #tpu.memory_space<hbm>>) target_semaphore(%arg13 : memref<!tpu.dma_semaphore, #tpu.memory_space<semaphore_mem>>)
      %gt3A = arith.constant 0 : i32
      %gt3A_83 = arith.cmpi sgt, %mul3A_67, %gt3A : i32
      %convert_element_type3A = arith.extui %gt3A_83 : i1 to i32
      %cond3A = arith.constant 0 : i32
      %cond3A_84 = arith.cmpi ne, %convert_element_type3A, %cond3A : i32
      scf.if %cond3A_84 {
        %dma_wait3A_117 = arith.constant 0 : i32
        %dma_wait3A_118 = tpu.memref_slice %arg4[%select_n3A, %multiple_of3A_35, %dma_wait3A_117] : memref<4x2048x1024xf32, #tpu.memory_space<hbm>> -> memref<1x32x1024xf32, #tpu.memory_space<hbm>>
        %dma_wait3A_119 = tpu.memref_squeeze %dma_wait3A_118 : memref<1x32x1024xf32, #tpu.memory_space<hbm>> -> memref<32x1024xf32, #tpu.memory_space<hbm>>
        %dma_wait3A_120 = arith.constant 0 : i32
        %dma_wait3A_121 = tpu.memref_slice %arg4[%select_n3A, %multiple_of3A_35, %dma_wait3A_120] : memref<4x2048x1024xf32, #tpu.memory_space<hbm>> -> memref<1x32x1024xf32, #tpu.memory_space<hbm>>
        %dma_wait3A_122 = tpu.memref_squeeze %dma_wait3A_121 : memref<1x32x1024xf32, #tpu.memory_space<hbm>> -> memref<32x1024xf32, #tpu.memory_space<hbm>>
        tpu.wait_dma2 semaphore(%arg14 : memref<!tpu.dma_semaphore, #tpu.memory_space<semaphore_mem>>) src(%arg9 : memref<32x1024xf32, #tpu.memory_space<vmem>>) dst(%dma_wait3A_122 : memref<32x1024xf32, #tpu.memory_space<hbm>>)
      } else {
      }
      %add3A_85 = arith.constant 1 : i32
      %add3A_86 = arith.addi %mul3A_67, %add3A_85 : i32
      %dma_start3A_87 = arith.constant 0 : i32
      %dma_start3A_88 = tpu.memref_slice %arg7[%add3A_86, %dma_start3A_87] : memref<8x32xi32, #tpu.memory_space<vmem>> -> memref<1x32xi32, #tpu.memory_space<vmem>>
      %dma_start3A_89 = tpu.memref_squeeze %dma_start3A_88 : memref<1x32xi32, #tpu.memory_space<vmem>> -> memref<32xi32, #tpu.memory_space<vmem>>
      %dma_start3A_90 = arith.constant 0 : i32
      %dma_start3A_91 = arith.constant 0 : i32
      %dma_start3A_92 = tpu.memref_slice %arg3[%dma_start3A_90, %dma_start3A_91] : memref<32128x1024xf32, #tpu.memory_space<hbm>> -> memref<32128x1024xf32, #tpu.memory_space<hbm>>
      tpu.enqueue_indirect_dma source(%dma_start3A_92 : memref<32128x1024xf32, #tpu.memory_space<hbm>>) target(%arg9 : memref<32x1024xf32, #tpu.memory_space<vmem>>) offsets(%dma_start3A_89 : memref<32xi32, #tpu.memory_space<vmem>>) semaphore(%arg12 : memref<!tpu.dma_semaphore, #tpu.memory_space<semaphore_mem>>)
      %add3A_93 = arith.constant 1 : i32
      %add3A_94 = arith.addi %mul3A_67, %add3A_93 : i32
      %dma_wait3A_95 = arith.constant 0 : i32
      %dma_wait3A_96 = tpu.memref_slice %arg7[%add3A_94, %dma_wait3A_95] : memref<8x32xi32, #tpu.memory_space<vmem>> -> memref<1x32xi32, #tpu.memory_space<vmem>>
      %dma_wait3A_97 = tpu.memref_squeeze %dma_wait3A_96 : memref<1x32xi32, #tpu.memory_space<vmem>> -> memref<32xi32, #tpu.memory_space<vmem>>
      %dma_wait3A_98 = arith.constant 0 : i32
      %dma_wait3A_99 = arith.constant 0 : i32
      %dma_wait3A_100 = tpu.memref_slice %arg3[%dma_wait3A_98, %dma_wait3A_99] : memref<32128x1024xf32, #tpu.memory_space<hbm>> -> memref<32128x1024xf32, #tpu.memory_space<hbm>>
      tpu.wait_indirect_dma semaphore(%arg12 : memref<!tpu.dma_semaphore, #tpu.memory_space<semaphore_mem>>) src(%dma_wait3A_100 : memref<32128x1024xf32, #tpu.memory_space<hbm>>) dst(%arg9 : memref<32x1024xf32, #tpu.memory_space<vmem>>)
      %add3A_101 = arith.constant 1 : i32
      %add3A_102 = arith.addi %mul3A_67, %add3A_101 : i32
      %mul3A_103 = arith.constant 32 : i32
      %mul3A_104 = arith.muli %add3A_102, %mul3A_103 : i32
      %add3A_105 = arith.addi %multiple_of3A_35, %mul3A_104 : i32
      %dma_start3A_106 = arith.constant 0 : i32
      %dma_start3A_107 = tpu.memref_slice %arg4[%select_n3A, %add3A_105, %dma_start3A_106] : memref<4x2048x1024xf32, #tpu.memory_space<hbm>> -> memref<1x32x1024xf32, #tpu.memory_space<hbm>>
      %dma_start3A_108 = tpu.memref_squeeze %dma_start3A_107 : memref<1x32x1024xf32, #tpu.memory_space<hbm>> -> memref<32x1024xf32, #tpu.memory_space<hbm>>
      %dma_start3A_109 = arith.constant 0 : i32
      %dma_start3A_110 = tpu.memref_slice %arg4[%select_n3A, %add3A_105, %dma_start3A_109] : memref<4x2048x1024xf32, #tpu.memory_space<hbm>> -> memref<1x32x1024xf32, #tpu.memory_space<hbm>>
      %dma_start3A_111 = tpu.memref_squeeze %dma_start3A_110 : memref<1x32x1024xf32, #tpu.memory_space<hbm>> -> memref<32x1024xf32, #tpu.memory_space<hbm>>
      tpu.enqueue_dma source(%arg9 : memref<32x1024xf32, #tpu.memory_space<vmem>>) target(%dma_start3A_111 : memref<32x1024xf32, #tpu.memory_space<hbm>>) target_semaphore(%arg14 : memref<!tpu.dma_semaphore, #tpu.memory_space<semaphore_mem>>)
      %lt3A_112 = arith.constant 6 : i32
      %lt3A_113 = arith.cmpi slt, %mul3A_67, %lt3A_112 : i32
      %convert_element_type3A_114 = arith.extui %lt3A_113 : i1 to i32
      %cond3A_115 = arith.constant 0 : i32
      %cond3A_116 = arith.cmpi ne, %convert_element_type3A_114, %cond3A_115 : i32
      scf.if %cond3A_116 {
        %dma_wait3A_117 = arith.constant 0 : i32
        %dma_wait3A_118 = tpu.memref_slice %arg4[%select_n3A, %multiple_of3A_35, %dma_wait3A_117] : memref<4x2048x1024xf32, #tpu.memory_space<hbm>> -> memref<1x32x1024xf32, #tpu.memory_space<hbm>>
        %dma_wait3A_119 = tpu.memref_squeeze %dma_wait3A_118 : memref<1x32x1024xf32, #tpu.memory_space<hbm>> -> memref<32x1024xf32, #tpu.memory_space<hbm>>
        %dma_wait3A_120 = arith.constant 0 : i32
        %dma_wait3A_121 = tpu.memref_slice %arg4[%select_n3A, %multiple_of3A_35, %dma_wait3A_120] : memref<4x2048x1024xf32, #tpu.memory_space<hbm>> -> memref<1x32x1024xf32, #tpu.memory_space<hbm>>
        %dma_wait3A_122 = tpu.memref_squeeze %dma_wait3A_121 : memref<1x32x1024xf32, #tpu.memory_space<hbm>> -> memref<32x1024xf32, #tpu.memory_space<hbm>>
        tpu.wait_dma2 semaphore(%arg13 : memref<!tpu.dma_semaphore, #tpu.memory_space<semaphore_mem>>) src(%arg8 : memref<32x1024xf32, #tpu.memory_space<vmem>>) dst(%dma_wait3A_122 : memref<32x1024xf32, #tpu.memory_space<hbm>>)
        %add3A_123 = arith.constant 2 : i32
        %add3A_124 = arith.addi %mul3A_67, %add3A_123 : i32
        %dma_start3A_125 = arith.constant 0 : i32
        %dma_start3A_126 = tpu.memref_slice %arg7[%add3A_124, %dma_start3A_125] : memref<8x32xi32, #tpu.memory_space<vmem>> -> memref<1x32xi32, #tpu.memory_space<vmem>>
        %dma_start3A_127 = tpu.memref_squeeze %dma_start3A_126 : memref<1x32xi32, #tpu.memory_space<vmem>> -> memref<32xi32, #tpu.memory_space<vmem>>
        %dma_start3A_128 = arith.constant 0 : i32
        %dma_start3A_129 = arith.constant 0 : i32
        %dma_start3A_130 = tpu.memref_slice %arg3[%dma_start3A_128, %dma_start3A_129] : memref<32128x1024xf32, #tpu.memory_space<hbm>> -> memref<32128x1024xf32, #tpu.memory_space<hbm>>
        tpu.enqueue_indirect_dma source(%dma_start3A_130 : memref<32128x1024xf32, #tpu.memory_space<hbm>>) target(%arg8 : memref<32x1024xf32, #tpu.memory_space<vmem>>) offsets(%dma_start3A_127 : memref<32xi32, #tpu.memory_space<vmem>>) semaphore(%arg11 : memref<!tpu.dma_semaphore, #tpu.memory_space<semaphore_mem>>)
      } else {
      }
    }
    %scan3A_53 = arith.constant 4 : i32
    %dma_wait3A = arith.constant 0 : i32
    %dma_wait3A_54 = tpu.memref_slice %arg4[%select_n3A, %multiple_of3A_35, %dma_wait3A] : memref<4x2048x1024xf32, #tpu.memory_space<hbm>> -> memref<1x32x1024xf32, #tpu.memory_space<hbm>>
    %dma_wait3A_55 = tpu.memref_squeeze %dma_wait3A_54 : memref<1x32x1024xf32, #tpu.memory_space<hbm>> -> memref<32x1024xf32, #tpu.memory_space<hbm>>
    %dma_wait3A_56 = arith.constant 0 : i32
    %dma_wait3A_57 = tpu.memref_slice %arg4[%select_n3A, %multiple_of3A_35, %dma_wait3A_56] : memref<4x2048x1024xf32, #tpu.memory_space<hbm>> -> memref<1x32x1024xf32, #tpu.memory_space<hbm>>
    %dma_wait3A_58 = tpu.memref_squeeze %dma_wait3A_57 : memref<1x32x1024xf32, #tpu.memory_space<hbm>> -> memref<32x1024xf32, #tpu.memory_space<hbm>>
    tpu.wait_dma2 semaphore(%arg13 : memref<!tpu.dma_semaphore, #tpu.memory_space<semaphore_mem>>) src(%arg8 : memref<32x1024xf32, #tpu.memory_space<vmem>>) dst(%dma_wait3A_58 : memref<32x1024xf32, #tpu.memory_space<hbm>>)
    %dma_wait3A_59 = arith.constant 0 : i32
    %dma_wait3A_60 = tpu.memref_slice %arg4[%select_n3A, %multiple_of3A_35, %dma_wait3A_59] : memref<4x2048x1024xf32, #tpu.memory_space<hbm>> -> memref<1x32x1024xf32, #tpu.memory_space<hbm>>
    %dma_wait3A_61 = tpu.memref_squeeze %dma_wait3A_60 : memref<1x32x1024xf32, #tpu.memory_space<hbm>> -> memref<32x1024xf32, #tpu.memory_space<hbm>>
    %dma_wait3A_62 = arith.constant 0 : i32
    %dma_wait3A_63 = tpu.memref_slice %arg4[%select_n3A, %multiple_of3A_35, %dma_wait3A_62] : memref<4x2048x1024xf32, #tpu.memory_space<hbm>> -> memref<1x32x1024xf32, #tpu.memory_space<hbm>>
    %dma_wait3A_64 = tpu.memref_squeeze %dma_wait3A_63 : memref<1x32x1024xf32, #tpu.memory_space<hbm>> -> memref<32x1024xf32, #tpu.memory_space<hbm>>
    tpu.wait_dma2 semaphore(%arg14 : memref<!tpu.dma_semaphore, #tpu.memory_space<semaphore_mem>>) src(%arg9 : memref<32x1024xf32, #tpu.memory_space<vmem>>) dst(%dma_wait3A_64 : memref<32x1024xf32, #tpu.memory_space<hbm>>)
    return
  }
}

module attributes {stable_mosaic.version = 14 : i64} {
  func.func @_copy_body(%arg0: i32, %arg1: memref<512x1024xf32, #tpu.memory_space<vmem>>, %arg2: memref<4x2048xf32, #tpu.memory_space<vmem>>, %arg3: memref<512x1024xf32, #tpu.memory_space<vmem>>, %arg4: memref<4x2048xf32, #tpu.memory_space<vmem>>) attributes {dimension_semantics = [#tpu.dimension_semantics<arbitrary>], iteration_bounds = array<i64: 16>, scalar_prefetch = 0 : i64, scratch_operands = 0 : i64, tpu.core_type = #tpu.core_type<tc>, window_params = [{transform_indices = @transform_0, window_bounds = array<i64: 512, 1024>}, {pipeline_mode = #tpu.pipeline_mode<synchronous>, transform_indices = @transform_1, window_bounds = array<i64: 4, 2048>}, {transform_indices = @transform_2, window_bounds = array<i64: 512, 1024>}, {pipeline_mode = #tpu.pipeline_mode<synchronous>, transform_indices = @transform_3, window_bounds = array<i64: 4, 2048>}]} {
    %get3A = arith.constant 0 : index
    %get3A_0 = arith.constant 0 : index
    %get3A_1 = vector.load %arg1[%get3A, %get3A_0] : memref<512x1024xf32, #tpu.memory_space<vmem>>, vector<512x1024xf32>
    %swap3A = arith.constant 0 : index
    %swap3A_2 = arith.constant 0 : index
    %swap3A_3 = vector.load %arg3[%swap3A, %swap3A_2] : memref<512x1024xf32, #tpu.memory_space<vmem>>, vector<512x1024xf32>
    tpu.vector_store %arg3[%swap3A, %swap3A_2], %get3A_1 {strides = array<i32>} : memref<512x1024xf32, #tpu.memory_space<vmem>>, vector<512x1024xf32>,
    %get3A_4 = arith.constant 0 : index
    %get3A_5 = arith.constant 0 : index
    %get3A_6 = vector.load %arg2[%get3A_4, %get3A_5] : memref<4x2048xf32, #tpu.memory_space<vmem>>, vector<4x2048xf32>
    %swap3A_7 = arith.constant 0 : index
    %swap3A_8 = arith.constant 0 : index
    %swap3A_9 = vector.load %arg4[%swap3A_7, %swap3A_8] : memref<4x2048xf32, #tpu.memory_space<vmem>>, vector<4x2048xf32>
    tpu.vector_store %arg4[%swap3A_7, %swap3A_8], %get3A_6 {strides = array<i32>} : memref<4x2048xf32, #tpu.memory_space<vmem>>, vector<4x2048xf32>,
    return
  }
  func.func @transform_0(%arg0: i32) -> (i32, i32) {
    %c0_i32 = arith.constant 0 : i32
    %c0_i32_0 = arith.constant 0 : i32
    return %arg0, %c0_i32 : i32, i32
  }
  func.func @transform_1(%arg0: i32) -> (i32, i32) {
    %c0_i32 = arith.constant 0 : i32
    %c0_i32_0 = arith.constant 0 : i32
    %c0_i32_1 = arith.constant 0 : i32
    return %c0_i32, %c0_i32_0 : i32, i32
  }
  func.func @transform_2(%arg0: i32) -> (i32, i32) {
    %c0_i32 = arith.constant 0 : i32
    %c0_i32_0 = arith.constant 0 : i32
    return %arg0, %c0_i32 : i32, i32
  }
  func.func @transform_3(%arg0: i32) -> (i32, i32) {
    %c0_i32 = arith.constant 0 : i32
    %c0_i32_0 = arith.constant 0 : i32
    %c0_i32_1 = arith.constant 0 : i32
    return %c0_i32, %c0_i32_0 : i32, i32
  }
}

</mosaic_0001>

<sc_bundles>
// kernel: kernel.4.cloned.1.call-start
scs
__scs_entry_jumppad:
0x0: {  	(pc) =	sbr.rel $0x88, $3  }
0x1: {  	(tag) =	ssettag $0x0;
	lr =	simm.s32 $0x1  }
0x2: {  	[smem:$0x3F9D] =	sst lr;
	_ =	strace $0xD0000000  }
0x3: {  	_ = 	snop  }
0x4: {  	_ = 	snop  }
0x5: {  	_ = 	snop  }
0x6: {  	_ = 	snop  }
0x7: {  	_ = 	snop  }
__scs_overlays_trampoline_lowered:
0x8: {  	[smem:$0x3FAC] =	sst s0  }
0x9: {  	[smem:$0x3FAD] =	sst s1  }
0xa: {  	[smem:$0x3FAE] =	sst s2  }
0xb: {  	[smem:$0x3FAF] =	sst s3  }
0xc: {  	[smem:$0x3FB0] =	sst s4  }
0xd: {  	[smem:$0x3FB1] =	sst s5  }
0xe: {  	[smem:$0x3FB2] =	sst s6  }
0xf: {  	[smem:$0x3FB3] =	sst s7  }
0x10: {  	[smem:$0x3FB4] =	sst s8  }
0x11: {  	[smem:$0x3FB5] =	sst s9;
	s0 =	simm.s32 @!p0 $0x0  }
0x12: {  	s1 =	sld [smem:$0x3F9B];
	s0 =	simm.s32 @p0 $0x1  }
0x13: {  	[smem:$0x3FB6] =	sst s0;
	s0 =	simm.s32 @!p1 $0x0  }
0x14: {  	s2 =	sld [smem:$0x3F9A];
	s0 =	simm.s32 @p1 $0x1  }
0x15: {  	[smem:$0x3FB7] =	sst s0;
	s0 =	simm.s32 @!p2 $0x0  }
0x16: {  	s3 =	sld [smem:$0x3FDB];
	s0 =	simm.s32 @p2 $0x1  }
0x17: {  	s4 =	simm.s32 $0x1BF5;
	[smem:$0x3FB9] =	sst s0  }
0x18: {  	s0 =	sld [smem:$0x3F9C];
	_ =	swait.ge [sflag:s4], $0x0  }
0x19: {  	s7 =	sld [smem:$0x3F9D]  }
0x1a: {  	s8 =	sadd.s32 $0xFFFFE003, lr  }
0x1b: {  	s9 =	sadd.s32 $0xFFFFFEF7, lr;
	s5 =	simm.s32 $0xFFFFFFFF;
	p2 =	slt.u32 s8, $0xFFFFF086  }
0x1c: {  	p1 =	slt.u32 s9, $0xF7A;
	s5 =	simm.s32 @!p2 $0x0  }
0x1d: {  	s5 =	simm.s32 @p1 $0x1;
	p0 =	seq.s32 s7, s2  }
0x1e: {  	s7 =	smul.u32 @!p0 $0xF7A, s2;
	p2 =	seq.s32 @!p0 s5, $0x0  }
0x1f: {  	s9 =	smul.u32 $0xF7A, s1;
	s8 =	simm.s32 @!p0 $0x1BF5;
	p2 =	por !p2, p0  }
0x20: {  	[sflag:s8] =	ssyncset.s32 @!p0 $0xFFFFF086;
	s6 =	sadd.s32 @!p0 s3, s7;
	s7 =	simm.s32 @!p0 $0x108  }
0x21: {  	s3 =	sadd.s32 s3, s9;
	s6 =	sadd.s32 @!p0 $0x88, s6;
	s7 =	simm.s32 @p2 $0x1082  }
0x22: {  	[simem:s7], [sflag:s8] =	dma.local @!p0 [hbm:s6], $0xF7A  }
0x23: {  	s9 =	sor.u32 $0xD0000000, s2;
	s6 =	simm.s32 $0x108;
	_ =	swait.ge @!p0 [sflag:s8], $0x0  }
0x24: {  	s3 =	sadd.s32 $0x88, s3;
	s6 =	simm.s32 @!p1 $0x1082;
	[sflag:s4] =	ssyncset.s32 $0xFFFFF086  }
0x25: {  	[simem:s6], [sflag:s4] =	dma.local [hbm:s3], $0xF7A  }
0x26: {  	[smem:$0x3F9D] =	sst s1;
	(tag) =	ssettag s2;
	_ =	strace s9  }
0x27: {  	s1 =	sld [smem:$0x3FAD]  }
0x28: {  	s2 =	sld [smem:$0x3FAE]  }
0x29: {  	s4 =	sld [smem:$0x3FB0]  }
0x2a: {  	p0 =	seq.s32 s5, $0x0;
	s5 =	sld [smem:$0x3FB1]  }
0x2b: {  	s6 =	sld [smem:$0x3FB2]  }
0x2c: {  	s7 =	sld [smem:$0x3FB3]  }
0x2d: {  	s3 =	simm.s32 $0x108;
	s8 =	sld [smem:$0x3FB4]  }
0x2e: {  	s3 =	simm.s32 @!p0 $0x1082;
	s9 =	sld [smem:$0x3FB5]  }
0x2f: {  	lr =	sadd.s32 s0, s3;
	s0 =	sld [smem:$0x3FAC]  }
0x30: {  	s3 =	sld [smem:$0x3FAF]  }
0x31: {  	[smem:$0x3FB8] =	sst s10  }
0x32: {  	s10 =	sld [smem:$0x3FB6];
	_ =	sdelay $0x3  }
0x33: {  	p0 =	seq.s32 s10, $0x1;
	s10 =	sld [smem:$0x3FB8];
	_ =	sdelay $0x3  }
0x34: {  	[smem:$0x3FB8] =	sst s10  }
0x35: {  	s10 =	sld [smem:$0x3FB7];
	_ =	sdelay $0x3  }
0x36: {  	p1 =	seq.s32 s10, $0x1;
	s10 =	sld [smem:$0x3FB8];
	_ =	sdelay $0x3  }
0x37: {  	[smem:$0x3FB8] =	sst s10  }
0x38: {  	s10 =	sld [smem:$0x3FB9]  }
0x39: {  	_ = 	snop;
	(pc) =	sbr.ind lr, $3  }
0x3a: {  	_ = 	snop  }
0x3b: {  	_ = 	snop  }
0x3c: {  	p2 =	seq.s32 s10, $0x1;
	s10 =	sld [smem:$0x3FB8]  }
0x3d: {  	_ =	shalt  }
0x3e: {  	_ =	shalt  }
0x3f: {  	_ =	shalt  }
0x40: {  	_ =	shalt  }
0x41: {  	_ =	shalt  }
0x42: {  	_ =	shalt  }
0x43: {  	_ =	shalt  }
0x44: {  	_ =	shalt  }
0x45: {  	_ =	shalt  }
0x46: {  	_ =	shalt  }
0x47: {  	_ =	shalt  }
0x48: {  	_ =	shalt  }
0x49: {  	_ =	shalt  }
0x4a: {  	_ =	shalt  }
0x4b: {  	_ =	shalt  }
0x4c: {  	_ =	shalt  }
0x4d: {  	_ =	shalt  }
0x4e: {  	_ =	shalt  }
0x4f: {  	_ =	shalt  }
0x50: {  	_ =	shalt  }
0x51: {  	_ =	shalt  }
0x52: {  	_ =	shalt  }
0x53: {  	_ =	shalt  }
0x54: {  	_ =	shalt  }
0x55: {  	_ =	shalt  }
0x56: {  	_ =	shalt  }
0x57: {  	_ =	shalt  }
0x58: {  	_ =	shalt  }
0x59: {  	_ =	shalt  }
0x5a: {  	_ =	shalt  }
0x5b: {  	_ =	shalt  }
0x5c: {  	_ =	shalt  }
0x5d: {  	_ =	shalt  }
0x5e: {  	_ =	shalt  }
0x5f: {  	_ =	shalt  }
0x60: {  	_ =	shalt  }
0x61: {  	_ =	shalt  }
0x62: {  	_ =	shalt  }
0x63: {  	_ =	shalt  }
0x64: {  	_ =	shalt  }
0x65: {  	_ =	shalt  }
0x66: {  	_ =	shalt  }
0x67: {  	_ =	shalt  }
0x68: {  	_ =	shalt  }
0x69: {  	_ =	shalt  }
0x6a: {  	_ =	shalt  }
0x6b: {  	_ =	shalt  }
0x6c: {  	_ =	shalt  }
0x6d: {  	_ =	shalt  }
0x6e: {  	_ =	shalt  }
0x6f: {  	_ =	shalt  }
0x70: {  	_ =	shalt  }
0x71: {  	_ =	shalt  }
0x72: {  	_ =	shalt  }
0x73: {  	_ =	shalt  }
0x74: {  	_ =	shalt  }
0x75: {  	_ =	shalt  }
0x76: {  	_ =	shalt  }
0x77: {  	_ =	shalt  }
0x78: {  	_ =	shalt  }
0x79: {  	_ =	shalt  }
0x7a: {  	_ =	shalt  }
0x7b: {  	_ =	shalt  }
0x7c: {  	_ =	shalt  }
0x7d: {  	_ =	shalt  }
0x7e: {  	_ =	shalt  }
0x7f: {  	_ =	shalt  }
0x80: {  	_ =	shalt  }
0x81: {  	_ =	shalt  }
0x82: {  	_ =	shalt  }
0x83: {  	_ =	shalt  }
0x84: {  	_ =	shalt  }
0x85: {  	_ =	shalt  }
0x86: {  	_ =	shalt  }
0x87: {  	_ =	shalt  }
.Lfunc_end0:
.L_simem_size_0:
called_computation_lowered:
.L_overlay_start_0:
0x88: {  	s2 =	sld [smem:$0x3FD9]  }
0x89: {  	s3 =	sld [smem:$0x3FFE];
	_ =	sdelay $0x1  }
0x8a: {  	s1 =	srdreg.scid  }
0x8b: {  	s0 =	sand.u32 $0x1, s1  }
0x8c: {  	s14 =	sshll.u32 s0, $0xA;
	s2 =	sadd.s32 s3, s2  }
0x8d: {  	s2 =	sadd.s32 s2, s14  }
0x8e: {  	[smem:$0x3FC4] =	sst s2  }
0x8f: {  	_ = 	snop  }
0x90: {  	s2 =	sld [smem:$0x3FD0];
	_ =	sdelay $0x2  }
0x91: {  	s4 =	simm.s32 $0xA;
	s5 =	simm.s32 $0x10;
	s15 =	sld [smem:$0x3FC6]  }
0x92: {  	[smem:s5], [sflag:s4] =	dma.local [hbm:s2], $0x1  }
0x93: {  	_ =	swait.eq [sflag:s4], $0x1  }
0x94: {  	[sflag:s4] =	ssyncset.done $0x0  }
0x95: {  	s16 =	sld [smem:$0x12];
	[sflag:s4] =	ssyncadd.s32 $0xFFFFFFFF  }
0x96: {  	s17 =	sld [smem:$0x13];
	(tm) =	ssettm $0x1  }
0x97: {  	s18 =	sld [smem:$0x3FFB];
	_ =	sdelay $0x3  }
0x98: {  	_ =	strace s18  }
0x99: {  	s5 =	sld [smem:$0x3FFC];
	_ =	sdelay $0x3  }
0x9a: {  	_ =	strace s5  }
0x9b: {  	s5 =	sld [smem:$0x3FFD];
	_ =	sdelay $0x3  }
0x9c: {  	_ =	strace s5  }
0x9d: {  	_ =	strace $0x8FFFFFFF  }
0x9e: {  	s19 =	sld [smem:$0x3FDB];
	_ =	sdelay $0x1  }
0x9f: {  	s6 =	simm.s32 $_scs_section_size  }
0xa0: {  	s7 =	simm.s32 $_size__tile_overlayer_lowered;
	s8 =	simm.s32 $_tile_overlayer_lowered  }
0xa1: {  	s22 =	simm.s32 $0x1BFF;
	s21 =	sshll.u32 s8, $0x1;
	s5 =	sadd.s32 s6, s19  }
0xa2: {  	s9 =	simm.s32 $0x0;
	s20 =	sshll.u32 s7, $0x1;
	s7 =	sadd.s32 s21, s5  }
0xa3: {  	[timem:s9], [sflag:s22] =	dma.local [hbm:s7], s20  }
0xa4: {  	_ =	swait.ge [sflag:s22], s20  }
0xa5: {  	s6 =	ssub.s32 $0x0, s20;
	[sflag:s22] =	ssyncset.done $0x0  }
0xa6: {  	[sflag:s22] =	ssyncadd.s32 s6;
	_ =	sdelay $0x1  }
0xa7: {  	s23 =	simm.s32 $0x1B8B  }
0xa8: {  	_ =	swait.ge [sflag:s23], $0x1  }
0xa9: {  	[sflag:s23] =	ssyncset.done $0x0  }
0xaa: {  	s25 =	simm.s32 $0x1B8E;
	s24 =	sld [smem:$0x3FFE];
	[sflag:s23] =	ssyncadd.s32 $0xFFFFFFFF  }
0xab: {  	s26 =	simm.s32 $execute0_lowered;
	[smem:$0x3FD2] =	sst s25  }
0xac: {  	s7 =	sshll.u32 s26, $0x1;
	_ =	strace $0x80000046;
	[dreg:$0x1] =	wrdreg $0xFFFFFFFF  }
0xad: {  	s28 =	simm.s32 $_size_execute0_lowered;
	s5 =	sadd.s32 s5, s7;
	[dreg:$0x0] =	wrdreg $0x0  }
0xae: {  	s7 =	sshll.u32 s28, $0x1;
	[dreg:$0x2] =	wrdreg s5  }
0xaf: {  	[dreg:$0x3] =	wrdreg s7  }
0xb0: {  	[dreg:$0x4] =	wrdreg $0xC0  }
0xb1: {  	_ =	task [dreg:s9], $0x5FFFF  }
0xb2: {  	[dreg:$0x1] =	wrdreg $0xFFFFFFFF  }
0xb3: {  	[dreg:$0x0] =	wrdreg $0x60  }
0xb4: {  	[dreg:$0x2] =	wrdreg s24  }
0xb5: {  	[dreg:$0x3] =	wrdreg s15  }
0xb6: {  	[dreg:$0x4] =	wrdreg s16  }
0xb7: {  	[dreg:$0x5] =	wrdreg s17  }
0xb8: {  	[dreg:$0x6] =	wrdreg $0x9  }
0xb9: {  	_ =	task.clear_ibuf [dreg:s9], $0x7FFFF;
	_ =	strace $0x90000046  }
0xba: {  	s29 =	simm.s32 $0x9;
	_ =	strace $0x80000048  }
0xbb: {  	_ =	swait.ge [sflag:s29], $0x1  }
0xbc: {  	[sflag:s29] =	ssyncadd.s32 $0xFFFFFFFF  }
0xbd: {  	_ =	strace $0x90000048  }
0xbe: {  	_ =	sfence  }
0xbf: {  	s30 =	sld [smem:$0x0];
	_ =	sdelay $0x2  }
0xc0: {  	s31 =	sshll.u32 s1, $0xD;
	s1 =	sshrl.u32 s1, $0x2  }
0xc1: {  	s3 =	sand.u32 $0x4000, s31;
	s1 =	sadd.s32 s1, s30  }
0xc2: {  	s0 =	sor.u32 s3, s0;
	s1 =	sshll.u32 s1, $0x11  }
0xc3: {  	s0 =	sor.u32 s1, s0  }
0xc4: {  	s0 =	sadd.s32 $0x8F2B, s0  }
0xc5: {  	[sflag:s0] =	ssyncadd.remote.s32 $0x1  }
0xc6: {  	_ =	sfence.sel $0xFFFF  }
0xc7: {  	[dreg:$0x0] =	wrdreg $0xFFFFFFFF;
	(pc) =	sbr.abs _section_cstart, $3  }
0xc8: {  	[dreg:$0x1] =	wrdreg $0xFFFFFFFF  }
0xc9: {  	_ =	task.clear_ibuf [dreg:s9], $0x2FFFF;
	_ =	strace $0x9FFFFFFF  }
0xca: {  	(tm) =	ssettm $0x7FFFFFFF  }
0xcb: {  	_ =	shalt  }
tec
execute0_lowered:
.L_overlay_start_1:
0x0: {  	(tag) =	ssettag $0x1  }
0x1: {  	s0 =	rddreg [dreg:$0x0]  }
0x2: {  	s1 =	rddreg [dreg:$0x1]  }
0x3: {  	s2 =	rddreg [dreg:$0x2]  }
0x4: {  	s4 =	rddreg [dreg:$0x3];
	s5 =	srdreg.scid  }
0x5: {  	s12 =	stileid.u32;
	s3 =	simm.s32 $0x0;
	s17 =	simm.s32 $0x580  }
0x6: {  	s14 =	simm.s32 $0x1;
	s15 =	simm.s32 $0x8580;
	s13 =	simm.s32 $0xAD80  }
0x7: {  	s18 =	simm.s32 $0xB580;
	s28 =	simm.s32 $0xFD80;
	s29 =	simm.s32 $0x2  }
0x8: {  	s30 =	simm.s32 $0x3;
	s5 =	sand.u32 $0x1, s5;
	s6 =	sshll.u32 s12, $0x1  }
0x9: {  	[smem:$0x7FF] =	sst s3;
	s9 =	sshrl.u32 s12, $0x2;
	s25 =	sshll.u32 s12, $0x9  }
0xa: {  	s6 =	sor.u32 s5, s6;
	_ =	strace $0x80000047;
	s8 =	ssub.s32 $0x2, s5  }
0xb: {  	s20 =	sshll.u32 s9, $0x4;
	s22 =	sshll.u32 s9, $0x15;
	s26 =	sshll.u32 s5, $0x8  }
0xc: {  	s5 =	simm.s32 $0x10580;
	s9 =	simm.s32 $0x0;
	s7 =	sshll.u32 s6, $0x5  }
0xd: {  	s19 =	sshrl.u32 s8, $0x1;
	s11 =	sand.u32 $0x7, s6;
	s4 =	sadd.s32 s4, s20  }
0xe: {  	s6 =	sadd.s32 $0x100, s1;
	s20 =	simm.s32 $0xC580;
	s0 =	sadd.s32 s7, s0  }
0xf: {  	s10 =	ssub.s32 s8, s19;
	s21 =	sshll.u32 s11, $0x7;
	s7 =	sadd.s32 $0x200, s1  }
0x10: {  	s8 =	sadd.s32 $0x300, s1;
	s23 =	sshll.u32 s11, $0x12;
	s19 =	simm.s32 $0xBD80  }
0x11: {  	s0 =	sadd.s32 $0xC00, s0;
	s24 =	smax.u32 s10, $0x1;
	s10 =	sor.u32 s26, s25  }
0x12: {  	s25 =	simm.s32 $0xED80;
	s26 =	simm.s32 $0xF580;
	[dreg:$0x5] =	wrdreg s0  }
.Ltmp0:
0x13: {  	s0 =	sadd.s32 s21, s4;
	[dreg:$0x7] =	wrdreg s24;
	(pc) =	sbr.rel .LBB2_1-.Ltmp0, $4  }
0x14: {  	s4 =	simm.s32 $0x5;
	[dreg:$0x6] =	wrdreg s0;
	s0 =	sor.u32 s23, s22  }
0x15: {  	v0 =	vlaneseq.u32;
	s21 =	simm.s32 $0xCD80;
	s31 =	sshrl.u32 s0, $0x3;
	s0 =	sor.u32 $0x8000, s0  }
0x16: {  	v1 =	vimm.f32 $1.000000000e+00;
	vm0 =	vmmov $0xffff;
	v3 =	vshrl.u32 v0, $0x3;
	s24 =	simm.s32 $0xE580;
	s22 =	simm.s32 $0xD580;
	s0 =	sshrl.u32 s0, $0x3  }
0x17: {  	v2 =	vand.u32 $0x7, v0;
	v4 =	vor.u32 $0x8, v0;
	v3 =	vmul.u32 $0x8, v3;
	s23 =	simm.s32 $0xDD80;
	s11 =	sadd.s32 s31, s2;
	s12 =	sadd.s32 s0, s2  }
.LBB2_6:
0x18: {  	s2 =	simm.s32 $0x4  }
0x19: {  	_ =	swait.ge [sflag:s2], $0x8000  }
0x1a: {  	s9 =	rddreg [dreg:$0x8]  }
0x1b: {  	s0 =	rddreg [dreg:$0x7];
	s9 =	sadd.s32 $0x1, s9  }
0x1c: {  	p0 =	sne.s32 s9, s0  }
.Ltmp1:
0x1d: {  	_ = 	snop;
	(pc) =	sbr.rel @!p0 .LBB2_7-.Ltmp1, $3  }
0x1e: {  	_ =	sdelay $0x1  }
0x1f: {  	[sflag:s2] =	ssyncset.done $0x0  }
0x20: {  	[sflag:s2] =	ssyncadd.s32 $0xFFFF8000  }
.LBB2_1:
0x21: {  	[dreg:$0x8] =	wrdreg s9  }
0x22: {  	s0 =	rddreg [dreg:$0x5]  }
0x23: {  	[tilespmem:s3], [sflag:$0x5] =	stream.linear.gather [hbm4b:s0+s3], $0x108, $0x38;
	[tilespmem:$0x10680] =	vst v63  }
0x24: {  	_ =	swait.ge [sflag:s4], $0x108  }
0x25: {  	[sflag:s4] =	ssyncset.done $0x0  }
0x26: {  	[sflag:s4] =	ssyncadd.s32 $0xFFFFFEF8;
	s4 =	simm.s32 $0x8  }
0x27: {  	v5 =	vld [tilespmem:s4+$0x0];
	_ =	sdelay $0x1  }
0x28: {  	s9 =	sadd.s32 $0x0, s10  }
0x29: {  	v6 =	vor.u32 s9, v0  }
0x2a: {  	v6 =	vand.u32 $0x7FF, v6  }
0x2b: {  	s16 =	sand.u32 $0xE00, s3;
	vm1 =	veq.s32 v6, $0x0;
	vm2 =	veq.s32 v5, $0xFFFFFF9C  }
0x2c: {  	s2 =	sand.u32 $0x10, s3;
	s0 =	sshrl.u32 s16, $0x2;
	vm1 =	vmor vm1, vm2  }
0x2d: {  	s0 =	sor.u32 s2, s0;
	v5 =	vsel vm1, $0x0, v5  }
0x2e: {  	[tilespmem:s0+$0x180] =	vst v5  }
0x2f: {  	s4 =	simm.s32 $0x18;
	[tilespmem:s5+$0x0] =	vst v1  }
0x30: {  	s31 =	simm.s32 $0x100;
	v5 =	vld [tilespmem:s4+$0x0]  }
0x31: {  	s2 =	simm.s32 $0x10;
	s0 =	simm.s32 $0x10580;
	s5 =	simm.s32 $0x200  }
.LBB2_2:
0x32: {  	p0 =	sne.s32 s5, $0xF00;
	s9 =	sadd.s32 s2, s10  }
0x33: {  	v6 =	vor.u32 s9, v0  }
0x34: {  	v6 =	vand.u32 $0x7FF, v6  }
0x35: {  	s9 =	sand.u32 $0xE00, s31;
	s31 =	smov.u32 s5;
	vm1 =	veq.s32 v6, $0x0;
	vm2 =	veq.s32 v5, $0xFFFFFF9C  }
0x36: {  	s16 =	sand.u32 $0x10, s2;
	s9 =	sshrl.u32 s9, $0x2;
	vm1 =	vmor vm1, vm2  }
.Ltmp2:
0x37: {  	s9 =	sor.u32 s16, s9;
	v5 =	vsel vm1, $0x0, v5;
	(pc) =	sbr.rel @p0 .LBB2_2-.Ltmp2, $4  }
0x38: {  	s0 =	sadd.s32 $0x10, s0;
	[tilespmem:s9+$0x180] =	vst v5  }
0x39: {  	s4 =	sadd.s32 $0x10, s4;
	[tilespmem:s0+$0x0] =	vst v1  }
0x3a: {  	v5 =	vld [tilespmem:s4+$0x0]  }
0x3b: {  	s2 =	sadd.s32 $0x10, s2;
	s5 =	sadd.s32 $0x100, s5  }
0x3c: {  	s4 =	sadd.s32 s2, s10  }
0x3d: {  	v6 =	vor.u32 s4, v0  }
0x3e: {  	v6 =	vand.u32 $0x7FF, v6  }
0x3f: {  	s9 =	sand.u32 $0xE00, s31;
	vm1 =	veq.s32 v6, $0x0;
	vm2 =	veq.s32 v5, $0xFFFFFF9C  }
0x40: {  	s16 =	sand.u32 $0x10, s2;
	s4 =	sshrl.u32 s9, $0x2;
	vm1 =	vmor vm1, vm2  }
0x41: {  	s2 =	sor.u32 s16, s4;
	v5 =	vsel vm1, $0x0, v5  }
0x42: {  	s0 =	sadd.s32 $0x10, s0;
	s5 =	simm.s32 $0x10580;
	[tilespmem:s2+$0x180] =	vst v5  }
0x43: {  	s9 =	simm.s32 $0x80;
	s4 =	rddreg [dreg:$0x6];
	s16 =	simm.s32 $0x200;
	[tilespmem:s0+$0x0] =	vst v1  }
0x44: {  	[hbm4b:s4+s9] =	stream.strided.scatter [tilespmem:s5], [sflag:$0x5], $0x100, s16, s9, $0x38;
	[tilespmem:$0x10680] =	vst v63  }
0x45: {  	s4 =	simm.s32 $0x5  }
0x46: {  	_ =	swait.ge [sflag:s4], $0x100  }
0x47: {  	[sflag:s4] =	ssyncset.done $0x0  }
0x48: {  	[sflag:s4] =	ssyncadd.s32 $0xFFFFFF00  }
0x49: {  	v5 =	vld [tilespmem:$0x180];
	_ =	sdelay $0x4  }
0x4a: {  	v6 =	vshll.u32 v5, $0x3  }
0x4b: {  	v5 =	vand.u32 $0x7, v5;
	v6 =	vand.u32 $0xFFFFFFC0, v6  }
0x4c: {  	v5 =	vor.u32 v5, v6  }
0x4d: {  	v6 =	vperm.xlane v5, v2;
	_ =	sdelay $0x1  }
0x4e: {  	v6 =	vadd.s32 v3, v6;
	_ =	sdelay $0x3  }
0x4f: {  	s31 =	simm.s32 $0x0  }
0x50: {  	[tilespmem:s17], [sflag:$0x1] =	stream.indirect_vreg.gather [hbm4b:s1+s31], $0x80, v6, vm0, $0xb8;
	[tilespmem:$0x10680] =	vst v63  }
0x51: {  	s9 =	simm.s32 $0xD80;
	v5 =	vperm.xlane v5, v4  }
0x52: {  	[tilespmem:s9], [sflag:$0x1] =	stream.indirect_vreg.gather [hbm4b:s6+s31], $0x80, v6, vm0, $0xb8;
	[tilespmem:$0x10680] =	vst v63  }
0x53: {  	s16 =	simm.s32 $0x1580;
	v5 =	vadd.s32 v3, v5  }
0x54: {  	[tilespmem:s16], [sflag:$0x1] =	stream.indirect_vreg.gather [hbm4b:s7+s31], $0x80, v6, vm0, $0xb8;
	[tilespmem:$0x10680] =	vst v63  }
0x55: {  	s2 =	simm.s32 $0x1D80  }
0x56: {  	[tilespmem:s2], [sflag:$0x1] =	stream.indirect_vreg.gather [hbm4b:s8+s31], $0x80, v6, vm0, $0xb8;
	[tilespmem:$0x10680] =	vst v63  }
0x57: {  	s2 =	simm.s32 $0x2580  }
0x58: {  	[tilespmem:s2], [sflag:$0x1] =	stream.indirect_vreg.gather [hbm4b:s1+s31], $0x80, v5, vm0, $0xb8;
	[tilespmem:$0x10680] =	vst v63  }
0x59: {  	s2 =	simm.s32 $0x2D80  }
0x5a: {  	[tilespmem:s2], [sflag:$0x1] =	stream.indirect_vreg.gather [hbm4b:s6+s31], $0x80, v5, vm0, $0xb8;
	[tilespmem:$0x10680] =	vst v63  }
0x5b: {  	s2 =	simm.s32 $0x3580  }
0x5c: {  	[tilespmem:s2], [sflag:$0x1] =	stream.indirect_vreg.gather [hbm4b:s7+s31], $0x80, v5, vm0, $0xb8;
	[tilespmem:$0x10680] =	vst v63  }
0x5d: {  	s2 =	simm.s32 $0x3D80  }
0x5e: {  	[tilespmem:s2], [sflag:$0x1] =	stream.indirect_vreg.gather [hbm4b:s8+s31], $0x80, v5, vm0, $0xb8;
	[tilespmem:$0x10680] =	vst v63  }
0x5f: {  	v5 =	vld [tilespmem:$0x190];
	_ =	sdelay $0x4  }
0x60: {  	v6 =	vshll.u32 v5, $0x3  }
0x61: {  	v5 =	vand.u32 $0x7, v5;
	v6 =	vand.u32 $0xFFFFFFC0, v6  }
0x62: {  	v5 =	vor.u32 v5, v6  }
0x63: {  	v6 =	vperm.xlane v5, v2;
	_ =	sdelay $0x1  }
0x64: {  	v6 =	vadd.s32 v3, v6;
	_ =	sdelay $0x3  }
0x65: {  	s2 =	simm.s32 $0x4580  }
0x66: {  	[tilespmem:s2], [sflag:$0x1] =	stream.indirect_vreg.gather [hbm4b:s1+s31], $0x80, v6, vm0, $0xb8;
	[tilespmem:$0x10680] =	vst v63  }
0x67: {  	v5 =	vperm.xlane v5, v4;
	s2 =	simm.s32 $0x4D80  }
0x68: {  	[tilespmem:s2], [sflag:$0x1] =	stream.indirect_vreg.gather [hbm4b:s6+s31], $0x80, v6, vm0, $0xb8;
	[tilespmem:$0x10680] =	vst v63  }
0x69: {  	v5 =	vadd.s32 v3, v5;
	s2 =	simm.s32 $0x5580  }
0x6a: {  	[tilespmem:s2], [sflag:$0x1] =	stream.indirect_vreg.gather [hbm4b:s7+s31], $0x80, v6, vm0, $0xb8;
	[tilespmem:$0x10680] =	vst v63  }
0x6b: {  	s2 =	simm.s32 $0x5D80  }
0x6c: {  	[tilespmem:s2], [sflag:$0x1] =	stream.indirect_vreg.gather [hbm4b:s8+s31], $0x80, v6, vm0, $0xb8;
	[tilespmem:$0x10680] =	vst v63  }
0x6d: {  	s2 =	simm.s32 $0x6580  }
0x6e: {  	[tilespmem:s2], [sflag:$0x1] =	stream.indirect_vreg.gather [hbm4b:s1+s31], $0x80, v5, vm0, $0xb8;
	[tilespmem:$0x10680] =	vst v63  }
0x6f: {  	s2 =	simm.s32 $0x6D80  }
0x70: {  	[tilespmem:s2], [sflag:$0x1] =	stream.indirect_vreg.gather [hbm4b:s6+s31], $0x80, v5, vm0, $0xb8;
	[tilespmem:$0x10680] =	vst v63  }
0x71: {  	s2 =	simm.s32 $0x7580  }
0x72: {  	[tilespmem:s2], [sflag:$0x1] =	stream.indirect_vreg.gather [hbm4b:s7+s31], $0x80, v5, vm0, $0xb8;
	[tilespmem:$0x10680] =	vst v63  }
0x73: {  	s0 =	simm.s32 $0x210;
	s2 =	simm.s32 $0x7D80  }
0x74: {  	[tilespmem:s2], [sflag:$0x1] =	stream.indirect_vreg.gather [hbm4b:s8+s31], $0x80, v5, vm0, $0xb8;
	[tilespmem:$0x10680] =	vst v63  }
.LBB2_4:
0x75: {  	_ =	swait.ge [sflag:s14], $0x8000  }
0x76: {  	[sflag:s14] =	ssyncset.done $0x0  }
0x77: {  	s2 =	sadd.s32 s31, s11;
	p0 =	seq.s32 s31, $0x0;
	[sflag:s14] =	ssyncadd.s32 $0xFFFF8000  }
0x78: {  	[hbm4b:s2+s3] =	stream.linear.scatter [tilespmem:s17], [sflag:$0x3], $0x8000, $0x38;
	[tilespmem:$0x10680] =	vst v63  }
0x79: {  	s2 =	simm.s32 @!p0 $0x4  }
0x7a: {  	_ =	swait.ge @!p0 [sflag:s2], $0x8000  }
0x7b: {  	[sflag:s2] =	ssyncset.done @!p0 $0x0  }
0x7c: {  	[sflag:s2] =	ssyncadd.s32 @!p0 $0xFFFF8000  }
0x7d: {  	v5 =	vld [tilespmem:s0+$0xFFFFFFF0];
	_ =	sdelay $0x4  }
0x7e: {  	v6 =	vshll.u32 v5, $0x3  }
0x7f: {  	v5 =	vand.u32 $0x7, v5;
	v6 =	vand.u32 $0xFFFFFFC0, v6  }
0x80: {  	v5 =	vor.u32 v5, v6  }
0x81: {  	v6 =	vperm.xlane v5, v2;
	_ =	sdelay $0x1  }
0x82: {  	v6 =	vadd.s32 v3, v6;
	_ =	sdelay $0x4  }
0x83: {  	[tilespmem:s15], [sflag:$0x2] =	stream.indirect_vreg.gather [hbm4b:s1+s3], $0x80, v6, vm0, $0xb8;
	[tilespmem:$0x10680] =	vst v63  }
0x84: {  	s2 =	simm.s32 $0x8D80;
	v5 =	vperm.xlane v5, v4  }
0x85: {  	[tilespmem:s2], [sflag:$0x2] =	stream.indirect_vreg.gather [hbm4b:s6+s3], $0x80, v6, vm0, $0xb8;
	[tilespmem:$0x10680] =	vst v63  }
0x86: {  	v5 =	vadd.s32 v3, v5;
	s2 =	simm.s32 $0x9580  }
0x87: {  	[tilespmem:s2], [sflag:$0x2] =	stream.indirect_vreg.gather [hbm4b:s7+s3], $0x80, v6, vm0, $0xb8;
	[tilespmem:$0x10680] =	vst v63  }
0x88: {  	s2 =	simm.s32 $0x9D80  }
0x89: {  	[tilespmem:s2], [sflag:$0x2] =	stream.indirect_vreg.gather [hbm4b:s8+s3], $0x80, v6, vm0, $0xb8;
	[tilespmem:$0x10680] =	vst v63  }
0x8a: {  	s2 =	simm.s32 $0xA580  }
0x8b: {  	[tilespmem:s2], [sflag:$0x2] =	stream.indirect_vreg.gather [hbm4b:s1+s3], $0x80, v5, vm0, $0xb8;
	[tilespmem:$0x10680] =	vst v63  }
0x8c: {  	_ = 	snop  }
0x8d: {  	[tilespmem:s13], [sflag:$0x2] =	stream.indirect_vreg.gather [hbm4b:s6+s3], $0x80, v5, vm0, $0xb8;
	[tilespmem:$0x10680] =	vst v63  }
0x8e: {  	_ = 	snop  }
0x8f: {  	[tilespmem:s18], [sflag:$0x2] =	stream.indirect_vreg.gather [hbm4b:s7+s3], $0x80, v5, vm0, $0xb8;
	[tilespmem:$0x10680] =	vst v63  }
0x90: {  	_ = 	snop  }
0x91: {  	[tilespmem:s19], [sflag:$0x2] =	stream.indirect_vreg.gather [hbm4b:s8+s3], $0x80, v5, vm0, $0xb8;
	[tilespmem:$0x10680] =	vst v63  }
0x92: {  	v5 =	vld [tilespmem:s0+$0x0];
	_ =	sdelay $0x4  }
0x93: {  	v6 =	vshll.u32 v5, $0x3  }
0x94: {  	v5 =	vand.u32 $0x7, v5;
	v6 =	vand.u32 $0xFFFFFFC0, v6  }
0x95: {  	v5 =	vor.u32 v5, v6  }
0x96: {  	v6 =	vperm.xlane v5, v2;
	_ =	sdelay $0x1  }
0x97: {  	v6 =	vadd.s32 v3, v6;
	_ =	sdelay $0x4  }
0x98: {  	[tilespmem:s20], [sflag:$0x2] =	stream.indirect_vreg.gather [hbm4b:s1+s3], $0x80, v6, vm0, $0xb8;
	[tilespmem:$0x10680] =	vst v63  }
0x99: {  	v5 =	vperm.xlane v5, v4  }
0x9a: {  	[tilespmem:s21], [sflag:$0x2] =	stream.indirect_vreg.gather [hbm4b:s6+s3], $0x80, v6, vm0, $0xb8;
	[tilespmem:$0x10680] =	vst v63  }
0x9b: {  	v5 =	vadd.s32 v3, v5  }
0x9c: {  	[tilespmem:s22], [sflag:$0x2] =	stream.indirect_vreg.gather [hbm4b:s7+s3], $0x80, v6, vm0, $0xb8;
	[tilespmem:$0x10680] =	vst v63  }
0x9d: {  	_ = 	snop  }
0x9e: {  	[tilespmem:s23], [sflag:$0x2] =	stream.indirect_vreg.gather [hbm4b:s8+s3], $0x80, v6, vm0, $0xb8;
	[tilespmem:$0x10680] =	vst v63  }
0x9f: {  	_ = 	snop  }
0xa0: {  	[tilespmem:s24], [sflag:$0x2] =	stream.indirect_vreg.gather [hbm4b:s1+s3], $0x80, v5, vm0, $0xb8;
	[tilespmem:$0x10680] =	vst v63  }
0xa1: {  	_ = 	snop  }
0xa2: {  	[tilespmem:s25], [sflag:$0x2] =	stream.indirect_vreg.gather [hbm4b:s6+s3], $0x80, v5, vm0, $0xb8;
	[tilespmem:$0x10680] =	vst v63  }
0xa3: {  	_ = 	snop  }
0xa4: {  	[tilespmem:s26], [sflag:$0x2] =	stream.indirect_vreg.gather [hbm4b:s7+s3], $0x80, v5, vm0, $0xb8;
	[tilespmem:$0x10680] =	vst v63  }
0xa5: {  	_ = 	snop  }
0xa6: {  	[tilespmem:s28], [sflag:$0x2] =	stream.indirect_vreg.gather [hbm4b:s8+s3], $0x80, v5, vm0, $0xb8;
	[tilespmem:$0x10680] =	vst v63  }
0xa7: {  	_ =	swait.ge [sflag:s29], $0x8000  }
0xa8: {  	p0 =	seq.s32 s31, $0x6000;
	[sflag:s29] =	ssyncset.done $0x0  }
.Ltmp3:
0xa9: {  	s2 =	sadd.s32 s31, s12;
	[sflag:s29] =	ssyncadd.s32 $0xFFFF8000;
	(pc) =	sbr.rel @p0 .LBB2_6-.Ltmp3, $4  }
0xaa: {  	[hbm4b:s2+s3] =	stream.linear.scatter [tilespmem:s15], [sflag:$0x4], $0x8000, $0x38;
	[tilespmem:$0x10680] =	vst v63  }
0xab: {  	_ =	swait.ge [sflag:s30], $0x8000  }
0xac: {  	[sflag:s30] =	ssyncset.done $0x0  }
0xad: {  	[sflag:s30] =	ssyncadd.s32 $0xFFFF8000  }
0xae: {  	v5 =	vld [tilespmem:s0+$0x70];
	_ =	sdelay $0x4  }
0xaf: {  	v6 =	vshll.u32 v5, $0x3  }
0xb0: {  	v5 =	vand.u32 $0x7, v5;
	v6 =	vand.u32 $0xFFFFFFC0, v6  }
0xb1: {  	v5 =	vor.u32 v5, v6  }
0xb2: {  	v6 =	vperm.xlane v5, v2;
	_ =	sdelay $0x1  }
0xb3: {  	v6 =	vadd.s32 v3, v6;
	_ =	sdelay $0x4  }
0xb4: {  	[tilespmem:s17], [sflag:$0x1] =	stream.indirect_vreg.gather [hbm4b:s1+s3], $0x80, v6, vm0, $0xb8;
	[tilespmem:$0x10680] =	vst v63  }
0xb5: {  	v5 =	vperm.xlane v5, v4  }
0xb6: {  	[tilespmem:s9], [sflag:$0x1] =	stream.indirect_vreg.gather [hbm4b:s6+s3], $0x80, v6, vm0, $0xb8;
	[tilespmem:$0x10680] =	vst v63  }
0xb7: {  	v5 =	vadd.s32 v3, v5  }
0xb8: {  	[tilespmem:s16], [sflag:$0x1] =	stream.indirect_vreg.gather [hbm4b:s7+s3], $0x80, v6, vm0, $0xb8;
	[tilespmem:$0x10680] =	vst v63  }
0xb9: {  	s2 =	simm.s32 $0x1D80  }
0xba: {  	[tilespmem:s2], [sflag:$0x1] =	stream.indirect_vreg.gather [hbm4b:s8+s3], $0x80, v6, vm0, $0xb8;
	[tilespmem:$0x10680] =	vst v63  }
0xbb: {  	s2 =	simm.s32 $0x2580  }
0xbc: {  	[tilespmem:s2], [sflag:$0x1] =	stream.indirect_vreg.gather [hbm4b:s1+s3], $0x80, v5, vm0, $0xb8;
	[tilespmem:$0x10680] =	vst v63  }
0xbd: {  	s2 =	simm.s32 $0x2D80  }
0xbe: {  	[tilespmem:s2], [sflag:$0x1] =	stream.indirect_vreg.gather [hbm4b:s6+s3], $0x80, v5, vm0, $0xb8;
	[tilespmem:$0x10680] =	vst v63  }
0xbf: {  	s2 =	simm.s32 $0x3580  }
0xc0: {  	[tilespmem:s2], [sflag:$0x1] =	stream.indirect_vreg.gather [hbm4b:s7+s3], $0x80, v5, vm0, $0xb8;
	[tilespmem:$0x10680] =	vst v63  }
0xc1: {  	s2 =	simm.s32 $0x3D80  }
0xc2: {  	[tilespmem:s2], [sflag:$0x1] =	stream.indirect_vreg.gather [hbm4b:s8+s3], $0x80, v5, vm0, $0xb8;
	[tilespmem:$0x10680] =	vst v63  }
0xc3: {  	v5 =	vld [tilespmem:s0+$0x80];
	_ =	sdelay $0x4  }
0xc4: {  	v6 =	vshll.u32 v5, $0x3  }
0xc5: {  	v5 =	vand.u32 $0x7, v5;
	v6 =	vand.u32 $0xFFFFFFC0, v6  }
0xc6: {  	v5 =	vor.u32 v5, v6  }
0xc7: {  	v6 =	vperm.xlane v5, v2;
	_ =	sdelay $0x1  }
0xc8: {  	v6 =	vadd.s32 v3, v6;
	_ =	sdelay $0x3  }
0xc9: {  	s2 =	simm.s32 $0x4580  }
0xca: {  	[tilespmem:s2], [sflag:$0x1] =	stream.indirect_vreg.gather [hbm4b:s1+s3], $0x80, v6, vm0, $0xb8;
	[tilespmem:$0x10680] =	vst v63  }
0xcb: {  	v5 =	vperm.xlane v5, v4;
	s2 =	simm.s32 $0x4D80  }
0xcc: {  	[tilespmem:s2], [sflag:$0x1] =	stream.indirect_vreg.gather [hbm4b:s6+s3], $0x80, v6, vm0, $0xb8;
	[tilespmem:$0x10680] =	vst v63  }
0xcd: {  	v5 =	vadd.s32 v3, v5;
	s2 =	simm.s32 $0x5580  }
0xce: {  	[tilespmem:s2], [sflag:$0x1] =	stream.indirect_vreg.gather [hbm4b:s7+s3], $0x80, v6, vm0, $0xb8;
	[tilespmem:$0x10680] =	vst v63  }
0xcf: {  	s2 =	simm.s32 $0x5D80  }
0xd0: {  	[tilespmem:s2], [sflag:$0x1] =	stream.indirect_vreg.gather [hbm4b:s8+s3], $0x80, v6, vm0, $0xb8;
	[tilespmem:$0x10680] =	vst v63  }
0xd1: {  	s2 =	simm.s32 $0x6580  }
0xd2: {  	[tilespmem:s2], [sflag:$0x1] =	stream.indirect_vreg.gather [hbm4b:s1+s3], $0x80, v5, vm0, $0xb8;
	[tilespmem:$0x10680] =	vst v63  }
0xd3: {  	s2 =	simm.s32 $0x6D80  }
0xd4: {  	[tilespmem:s2], [sflag:$0x1] =	stream.indirect_vreg.gather [hbm4b:s6+s3], $0x80, v5, vm0, $0xb8;
	[tilespmem:$0x10680] =	vst v63  }
.Ltmp4:
0xd5: {  	_ = 	snop;
	(pc) =	sbr.rel .LBB2_4-.Ltmp4, $4  }
0xd6: {  	s2 =	simm.s32 $0x7580  }
0xd7: {  	[tilespmem:s2], [sflag:$0x1] =	stream.indirect_vreg.gather [hbm4b:s7+s3], $0x80, v5, vm0, $0xb8;
	[tilespmem:$0x10680] =	vst v63  }
0xd8: {  	s31 =	sadd.s32 $0x2000, s31;
	s0 =	sadd.s32 $0x100, s0;
	s2 =	simm.s32 $0x7D80  }
0xd9: {  	[tilespmem:s2], [sflag:$0x1] =	stream.indirect_vreg.gather [hbm4b:s8+s3], $0x80, v5, vm0, $0xb8;
	[tilespmem:$0x10680] =	vst v63  }
.LBB2_7:
0xda: {  	_ =	sfence.sel $0x180000  }
0xdb: {  	[bflag:$0x0] =	sbarrier.arrive $0xFFFF  }
0xdc: {  	_ =	strace $0x90000047  }
0xdd: {  	s0 =	stileid.u32;
	[bflag:$0x2] =	sbarrier.arrive $0xFFFF  }
0xde: {  	p0 =	sne.s32 s0, $0x0;
	s0 =	rddreg [dreg:$0x4]  }
0xdf: {  	s0 =	sadd.s32 @!p0 $0x100000, s0  }
0xe0: {  	[sflag:s0] =	ssyncadd.tile.s32 @!p0 $0x1;
	_ =	shalt  }
.Lfunc_end2:
_tile_overlayer_lowered:
.L_overlay_start_2:
0xe1: {  	(tag) =	ssettag $0x2  }
0xe2: {  	s0 =	rddreg [dreg:$0x0];
	s2 =	stileid.u32  }
0xe3: {  	s1 =	rddreg [dreg:$0x1];
	p0 =	sne.s32 s2, $0x0  }
0xe4: {  	s3 =	rddreg [dreg:$0x2];
	[bflag:$0x3] =	sbarrier.arrive $0xFFFF;
	s2 =	simm.s32 @!p0 $0x1C05  }
0xe5: {  	[timem:s3], [sflag:s2] =	dma.local @!p0 [hbm:s0], s1  }
0xe6: {  	s0 =	simm.s32 @!p0 $0x5  }
0xe7: {  	_ =	swait.ge @!p0 [sflag:s0], s1  }
0xe8: {  	s1 =	ssub.s32 @!p0 $0x0, s1;
	[sflag:s0] =	ssyncset.done @!p0 $0x0  }
0xe9: {  	[sflag:s0] =	ssyncadd.s32 @!p0 s1  }
0xea: {  	[bflag:$0x3] =	sbarrier.arrive $0xFFFF  }
0xeb: {  	_ =	shalt  }

</sc_bundles>
